<compile_context>
chip_gen: v7x
topology: tpu7x:2x2x1
jax: 0.10.2.dev20260603
libtpu: 0.0.44.dev20260713+nightly
codegen_flags: <defaults>
</compile_context>

<pallas_src>
import functools

import jax
import jax.numpy as jnp
from jax import lax
from jax.experimental import compute_on
from jax.experimental import pallas as pl
from jax.experimental.pallas import tpu as pltpu
from jax.experimental.pallas import tpu_sc as plsc

B, S, D = 4, 8192, 2048

S_SC = 2048
S_TC = S - S_SC

NC, NS = 2, 16
WPB = (NC * NS) // B
RPW = S_SC // WPB
R = 16
NCH = RPW // R
NVR = D // 16


@functools.partial(
    pl.kernel,
    mesh=plsc.VectorSubcoreMesh(core_axis_name="c", subcore_axis_name="s"),
    out_type=jax.ShapeDtypeStruct((B, WPB, D), jnp.float32),
    scratch_types=[
        pltpu.VMEM((2, R, D), jnp.float32),
        pltpu.VMEM((D,), jnp.float32),
        pltpu.SemaphoreType.DMA,
    ],
)
def _sc_partial_mean(flat_hbm, out_hbm, buf, acc, sem):
    w = lax.axis_index("s") * NC + lax.axis_index("c")
    b = w // WPB
    k = w % WPB
    row0 = b * S + k * RPW

    def zero(v, _):
        acc[pl.ds(v * 16, 16)] = jnp.zeros((16,), jnp.float32)
        return 0

    lax.fori_loop(0, NVR, zero, 0)

    def src(g):
        return flat_hbm.at[pl.ds(row0 + g * R, R)]

    pltpu.async_copy(src(jnp.int32(0)), buf.at[0], sem)
    pltpu.async_copy(src(jnp.int32(1)), buf.at[1], sem)

    def chunk_body(g, _):
        pltpu.make_async_copy(src(g), buf.at[lax.rem(g, 2)], sem).wait()

        cur = buf.at[lax.rem(g, 2)]

        def feat(v, _):
            s16 = cur[0, pl.ds(v * 16, 16)]
            for r in range(1, R):
                s16 = s16 + cur[r, pl.ds(v * 16, 16)]
            plsc.addupdate(acc.at[pl.ds(v * 16, 16)], s16)
            return 0

        lax.fori_loop(0, NVR, feat, 0)

        @pl.when(g + 2 < NCH)
        def _():
            pltpu.async_copy(src(g + 2), buf.at[lax.rem(g, 2)], sem)

        return 0

    lax.fori_loop(0, NCH, chunk_body, 0)

    def scale(v, _):
        acc[pl.ds(v * 16, 16)] = acc[pl.ds(v * 16, 16)] * jnp.float32(1.0 / S)
        return 0

    lax.fori_loop(0, NVR, scale, 0)
    pltpu.sync_copy(acc, out_hbm.at[b, k])


SB = 1024
NSB = S_TC // SB
SB_OFF = S_SC // SB


def _tc_body(x_ref, o_ref):
    s = pl.program_id(1)
    part = jnp.sum(x_ref[...], axis=1, keepdims=True) * jnp.float32(1.0 / S)

    @pl.when(s == 0)
    def _():
        o_ref[...] = part

    @pl.when(s > 0)
    def _():
        o_ref[...] += part


def _tc_partial_mean(embeds):
    return pl.pallas_call(
        _tc_body,
        grid=(B, NSB),
        in_specs=[pl.BlockSpec((1, SB, D), lambda b, s: (b, s + SB_OFF, 0))],
        out_specs=pl.BlockSpec((1, 1, D), lambda b, s: (b, 0, 0)),
        out_shape=jax.ShapeDtypeStruct((B, 1, D), jnp.float32),
        compiler_params=pltpu.CompilerParams(
            dimension_semantics=("parallel", "arbitrary"),
        ),
    )(embeds)


def kernel(embeds):
    flat = embeds.reshape(B * S, D)
    with compute_on.compute_on("tpu_sparsecore"):
        sc_partials = _sc_partial_mean(flat)
    tc_part = _tc_partial_mean(embeds)
    return jnp.sum(sc_partials, axis=1, keepdims=True) + tc_part

# --- scband reference (transcript-rebuilt; emitter-appended) ---
"""Pipeline reference for scband-pooler-87119116632396 (READ-ONLY COPY).

The authoritative reference and input builder live on the scoring server;
editing this copy changes nothing except your own understanding.
"""

import jax, jax.numpy as jnp
import numpy as np

def setup_inputs(seed: int = 0) -> dict:
    key = jax.random.key(seed)
    embeds = jax.random.normal(key, (4, 8192, 2048), dtype=jnp.float32)
    return {"embeds": embeds}

def reference(embeds):
    # Pooler with pooler='mean_rep': mean over the sequence dim, keepdims=True
    return jnp.mean(embeds, axis=1, keepdims=True)

if __name__ == "__main__":
    import jax
    _d = setup_inputs()
    print(jax.jit(kernel)(*tuple(_d.values())))

</pallas_src>

<mosaic_0001>
#map = affine_map<(d0, d1) -> (0, 0)>
#map1 = affine_map<(d0, d1) -> (0, 0, 0)>
module attributes {stable_mosaic.version = 14 : i64} {
  func.func @_sc_partial_mean(%arg0: i32, %arg1: i32, %arg2: memref<32768x2048xf32, #tpu.memory_space<hbm>>, %arg3: memref<4x8x2048xf32, #tpu.memory_space<hbm>>, %arg4: memref<2x16x2048xf32, #tpu.memory_space<vmem>>, %arg5: memref<2048xf32, #tpu.memory_space<vmem>>, %arg6: memref<!tpu.dma_semaphore, #tpu.memory_space<semaphore_mem>>) attributes {dimension_semantics = [#tpu.dimension_semantics<core_parallel>, #tpu.dimension_semantics<subcore_parallel>], iteration_bounds = array<i64: 2, 16>, scalar_prefetch = 0 : i64, scratch_operands = 3 : i64, tpu.core_type = #tpu.core_type<sc_vector_subcore>, window_params = [{transform_indices = #map}, {transform_indices = #map1}]} {
    %mul3A = arith.constant 2 : i32
    %mul3A_0 = arith.muli %arg1, %mul3A : i32
    %add3A = arith.addi %mul3A_0, %arg0 : i32
    %jit3A = arith.constant 8 : i32
    %div3A = arith.divsi %add3A, %jit3A : i32
    %sign3A = arith.constant 0 : i32
    %sign3A_1 = arith.cmpi sgt, %add3A, %sign3A : i32
    %sign3A_2 = arith.extui %sign3A_1 : i1 to i32
    %sign3A_3 = arith.constant 0 : i32
    %sign3A_4 = arith.cmpi slt, %add3A, %sign3A_3 : i32
    %sign3A_5 = arith.extui %sign3A_4 : i1 to i32
    %sign3A_6 = arith.subi %sign3A_2, %sign3A_5 : i32
    %sign3A_7 = arith.constant 0 : i32
    %sign3A_8 = arith.cmpi sgt, %jit3A, %sign3A_7 : i32
    %sign3A_9 = arith.extui %sign3A_8 : i1 to i32
    %sign3A_10 = arith.constant 0 : i32
    %sign3A_11 = arith.cmpi slt, %jit3A, %sign3A_10 : i32
    %sign3A_12 = arith.extui %sign3A_11 : i1 to i32
    %sign3A_13 = arith.subi %sign3A_9, %sign3A_12 : i32
    %ne3A = arith.cmpi ne, %sign3A_6, %sign3A_13 : i32
    %rem3A = arith.remsi %add3A, %jit3A : i32
    %ne3A_14 = arith.constant 0 : i32
    %ne3A_15 = arith.cmpi ne, %rem3A, %ne3A_14 : i32
    %and3A = arith.andi %ne3A, %ne3A_15 : i1
    %sub3A = arith.constant 1 : i32
    %sub3A_16 = arith.subi %div3A, %sub3A : i32
    %select_n3A = arith.select %and3A, %sub3A_16, %div3A : i32
    %jit3A_17 = arith.constant 8 : i32
    %eq3A = arith.constant 0 : i32
    %eq3A_18 = arith.cmpi eq, %jit3A_17, %eq3A : i32
    %jit3A_19 = arith.constant 1 : i32
    %select_n3A_20 = arith.select %eq3A_18, %jit3A_19, %jit3A_17 : i32
    %rem3A_21 = arith.remsi %add3A, %select_n3A_20 : i32
    %ne3A_22 = arith.constant 0 : i32
    %ne3A_23 = arith.cmpi ne, %rem3A_21, %ne3A_22 : i32
    %lt3A = arith.constant 0 : i32
    %lt3A_24 = arith.cmpi slt, %rem3A_21, %lt3A : i32
    %lt3A_25 = arith.constant 0 : i32
    %lt3A_26 = arith.cmpi slt, %select_n3A_20, %lt3A_25 : i32
    %ne3A_27 = arith.xori %lt3A_24, %lt3A_26 : i1
    %and3A_28 = arith.andi %ne3A_27, %ne3A_23 : i1
    %add3A_29 = arith.addi %rem3A_21, %select_n3A_20 : i32
    %select_n3A_30 = arith.select %and3A_28, %add3A_29, %rem3A_21 : i32
    %mul3A_31 = arith.constant 8192 : i32
    %mul3A_32 = arith.muli %select_n3A, %mul3A_31 : i32
    %mul3A_33 = arith.constant 256 : i32
    %mul3A_34 = arith.muli %select_n3A_30, %mul3A_33 : i32
    %add3A_35 = arith.addi %mul3A_32, %mul3A_34 : i32
    %scan3A = arith.constant 0 : i32
    %scan3A_36 = arith.constant 0 : i32
    %scan3A_37 = arith.constant 128 : i32
    %scan3A_38 = arith.addi %scan3A_36, %scan3A_37 : i32
    %scan3A_39 = arith.constant 1 : i32
    %scan3A_40 = scf.for %scan3A_89 = %scan3A_36 to %scan3A_38 step %scan3A_39 iter_args(%scan3A_90 = %scan3A) -> (i32)  : i32 {
      %broadcast_in_dim3A = arith.constant 0.000000e+00 : f32
      %broadcast_in_dim3A_91 = vector.broadcast %broadcast_in_dim3A : f32 to vector<16xf32>
      %mul3A_92 = arith.constant 16 : i32
      %mul3A_93 = arith.muli %scan3A_89, %mul3A_92 : i32
      %swap3A = arith.index_cast %mul3A_93 : i32 to index
      %swap3A_94 = tpu.vector_load %arg5[%swap3A] {strides = array<i32>} : memref<2048xf32, #tpu.memory_space<vmem>>, vector<16xf32>,
      %swap3A_95 = vector.shape_cast %swap3A_94 : vector<16xf32> to vector<16xf32>
      %swap3A_96 = vector.shape_cast %broadcast_in_dim3A_91 : vector<16xf32> to vector<16xf32>
      tpu.vector_store %arg5[%swap3A], %swap3A_96 {strides = array<i32>} : memref<2048xf32, #tpu.memory_space<vmem>>, vector<16xf32>,
      %scan3A_97 = arith.constant 0 : i32
      scf.yield %scan3A_97 : i32
    }
    %scan3A_41 = arith.constant 128 : i32
    %mul3A_42 = arith.constant 0 : i32
    %mul3A_43 = arith.constant 16 : i32
    %mul3A_44 = arith.muli %mul3A_42, %mul3A_43 : i32
    %add3A_45 = arith.addi %add3A_35, %mul3A_44 : i32
    %dma_start3A = arith.constant 0 : i32
    %dma_start3A_46 = arith.constant 0 : i32
    %dma_start3A_47 = arith.constant 0 : i32
    %dma_start3A_48 = tpu.memref_slice %arg4[%dma_start3A, %dma_start3A_46, %dma_start3A_47] : memref<2x16x2048xf32, #tpu.memory_space<vmem>> -> memref<1x16x2048xf32, #tpu.memory_space<vmem>>
    %dma_start3A_49 = tpu.memref_squeeze %dma_start3A_48 : memref<1x16x2048xf32, #tpu.memory_space<vmem>> -> memref<16x2048xf32, #tpu.memory_space<vmem>>
    %dma_start3A_50 = arith.constant 0 : i32
    %dma_start3A_51 = tpu.memref_slice %arg2[%add3A_45, %dma_start3A_50] : memref<32768x2048xf32, #tpu.memory_space<hbm>> -> memref<16x2048xf32, #tpu.memory_space<hbm>>
    %dma_start3A_52 = arith.constant 0 : i32
    %dma_start3A_53 = arith.constant 0 : i32
    %dma_start3A_54 = tpu.memref_slice %arg4[%dma_start3A, %dma_start3A_52, %dma_start3A_53] : memref<2x16x2048xf32, #tpu.memory_space<vmem>> -> memref<1x16x2048xf32, #tpu.memory_space<vmem>>
    %dma_start3A_55 = tpu.memref_squeeze %dma_start3A_54 : memref<1x16x2048xf32, #tpu.memory_space<vmem>> -> memref<16x2048xf32, #tpu.memory_space<vmem>>
    %dma_start3A_56 = arith.constant 0 : i32
    %dma_start3A_57 = tpu.memref_slice %arg2[%add3A_45, %dma_start3A_56] : memref<32768x2048xf32, #tpu.memory_space<hbm>> -> memref<16x2048xf32, #tpu.memory_space<hbm>>
    tpu.enqueue_dma source(%dma_start3A_57 : memref<16x2048xf32, #tpu.memory_space<hbm>>) target(%dma_start3A_55 : memref<16x2048xf32, #tpu.memory_space<vmem>>) target_semaphore(%arg6 : memref<!tpu.dma_semaphore, #tpu.memory_space<semaphore_mem>>)
    %mul3A_58 = arith.constant 1 : i32
    %mul3A_59 = arith.constant 16 : i32
    %mul3A_60 = arith.muli %mul3A_58, %mul3A_59 : i32
    %add3A_61 = arith.addi %add3A_35, %mul3A_60 : i32
    %dma_start3A_62 = arith.constant 1 : i32
    %dma_start3A_63 = arith.constant 0 : i32
    %dma_start3A_64 = arith.constant 0 : i32
    %dma_start3A_65 = tpu.memref_slice %arg4[%dma_start3A_62, %dma_start3A_63, %dma_start3A_64] : memref<2x16x2048xf32, #tpu.memory_space<vmem>> -> memref<1x16x2048xf32, #tpu.memory_space<vmem>>
    %dma_start3A_66 = tpu.memref_squeeze %dma_start3A_65 : memref<1x16x2048xf32, #tpu.memory_space<vmem>> -> memref<16x2048xf32, #tpu.memory_space<vmem>>
    %dma_start3A_67 = arith.constant 0 : i32
    %dma_start3A_68 = tpu.memref_slice %arg2[%add3A_61, %dma_start3A_67] : memref<32768x2048xf32, #tpu.memory_space<hbm>> -> memref<16x2048xf32, #tpu.memory_space<hbm>>
    %dma_start3A_69 = arith.constant 0 : i32
    %dma_start3A_70 = arith.constant 0 : i32
    %dma_start3A_71 = tpu.memref_slice %arg4[%dma_start3A_62, %dma_start3A_69, %dma_start3A_70] : memref<2x16x2048xf32, #tpu.memory_space<vmem>> -> memref<1x16x2048xf32, #tpu.memory_space<vmem>>
    %dma_start3A_72 = tpu.memref_squeeze %dma_start3A_71 : memref<1x16x2048xf32, #tpu.memory_space<vmem>> -> memref<16x2048xf32, #tpu.memory_space<vmem>>
    %dma_start3A_73 = arith.constant 0 : i32
    %dma_start3A_74 = tpu.memref_slice %arg2[%add3A_61, %dma_start3A_73] : memref<32768x2048xf32, #tpu.memory_space<hbm>> -> memref<16x2048xf32, #tpu.memory_space<hbm>>
    tpu.enqueue_dma source(%dma_start3A_74 : memref<16x2048xf32, #tpu.memory_space<hbm>>) target(%dma_start3A_72 : memref<16x2048xf32, #tpu.memory_space<vmem>>) target_semaphore(%arg6 : memref<!tpu.dma_semaphore, #tpu.memory_space<semaphore_mem>>)
    %scan3A_75 = arith.constant 0 : i32
    %scan3A_76 = arith.constant 0 : i32
    %scan3A_77 = arith.constant 16 : i32
    %scan3A_78 = arith.addi %scan3A_76, %scan3A_77 : i32
    %scan3A_79 = arith.constant 1 : i32
    %scan3A_80 = scf.for %scan3A_89 = %scan3A_76 to %scan3A_78 step %scan3A_79 iter_args(%scan3A_90 = %scan3A_75) -> (i32)  : i32 {
      %mul3A_91 = arith.constant 16 : i32
      %mul3A_92 = arith.muli %scan3A_89, %mul3A_91 : i32
      %add3A_93 = arith.addi %add3A_35, %mul3A_92 : i32
      %rem3A_94 = arith.constant 2 : i32
      %rem3A_95 = arith.remsi %scan3A_89, %rem3A_94 : i32
      %dma_wait3A = arith.constant 0 : i32
      %dma_wait3A_96 = arith.constant 0 : i32
      %dma_wait3A_97 = tpu.memref_slice %arg4[%rem3A_95, %dma_wait3A, %dma_wait3A_96] : memref<2x16x2048xf32, #tpu.memory_space<vmem>> -> memref<1x16x2048xf32, #tpu.memory_space<vmem>>
      %dma_wait3A_98 = tpu.memref_squeeze %dma_wait3A_97 : memref<1x16x2048xf32, #tpu.memory_space<vmem>> -> memref<16x2048xf32, #tpu.memory_space<vmem>>
      %dma_wait3A_99 = arith.constant 0 : i32
      %dma_wait3A_100 = tpu.memref_slice %arg2[%add3A_93, %dma_wait3A_99] : memref<32768x2048xf32, #tpu.memory_space<hbm>> -> memref<16x2048xf32, #tpu.memory_space<hbm>>
      %dma_wait3A_101 = arith.constant 0 : i32
      %dma_wait3A_102 = arith.constant 0 : i32
      %dma_wait3A_103 = tpu.memref_slice %arg4[%rem3A_95, %dma_wait3A_101, %dma_wait3A_102] : memref<2x16x2048xf32, #tpu.memory_space<vmem>> -> memref<1x16x2048xf32, #tpu.memory_space<vmem>>
      %dma_wait3A_104 = tpu.memref_squeeze %dma_wait3A_103 : memref<1x16x2048xf32, #tpu.memory_space<vmem>> -> memref<16x2048xf32, #tpu.memory_space<vmem>>
      %dma_wait3A_105 = arith.constant 0 : i32
      %dma_wait3A_106 = tpu.memref_slice %arg2[%add3A_93, %dma_wait3A_105] : memref<32768x2048xf32, #tpu.memory_space<hbm>> -> memref<16x2048xf32, #tpu.memory_space<hbm>>
      tpu.wait_dma2 semaphore(%arg6 : memref<!tpu.dma_semaphore, #tpu.memory_space<semaphore_mem>>) src(%dma_wait3A_106 : memref<16x2048xf32, #tpu.memory_space<hbm>>) dst(%dma_wait3A_104 : memref<16x2048xf32, #tpu.memory_space<vmem>>)
      %rem3A_107 = arith.constant 2 : i32
      %rem3A_108 = arith.remsi %scan3A_89, %rem3A_107 : i32
      %scan3A_109 = arith.constant 0 : i32
      %scan3A_110 = arith.constant 0 : i32
      %scan3A_111 = arith.constant 128 : i32
      %scan3A_112 = arith.addi %scan3A_110, %scan3A_111 : i32
      %scan3A_113 = arith.constant 1 : i32
      %scan3A_114 = scf.for %scan3A_122 = %scan3A_110 to %scan3A_112 step %scan3A_113 iter_args(%scan3A_123 = %scan3A_109) -> (i32)  : i32 {
        %mul3A_124 = arith.constant 16 : i32
        %mul3A_125 = arith.muli %scan3A_122, %mul3A_124 : i32
        %get3A = arith.constant 0 : i32
        %get3A_126 = arith.constant 0 : i32
        %get3A_127 = arith.constant 0 : i32
        %get3A_128 = tpu.memref_slice %arg4[%rem3A_108, %get3A_126, %get3A_127] : memref<2x16x2048xf32, #tpu.memory_space<vmem>> -> memref<1x16x2048xf32, #tpu.memory_space<vmem>>
        %get3A_129 = tpu.memref_squeeze %get3A_128 : memref<1x16x2048xf32, #tpu.memory_space<vmem>> -> memref<16x2048xf32, #tpu.memory_space<vmem>>
        %get3A_130 = arith.index_cast %get3A : i32 to index
        %get3A_131 = arith.index_cast %mul3A_125 : i32 to index
        %get3A_132 = tpu.vector_load %get3A_129[%get3A_130, %get3A_131] {strides = array<i32>} : memref<16x2048xf32, #tpu.memory_space<vmem>>, vector<1x16xf32>,
        %get3A_133 = vector.shape_cast %get3A_132 : vector<1x16xf32> to vector<16xf32>
        %mul3A_134 = arith.constant 16 : i32
        %mul3A_135 = arith.muli %scan3A_122, %mul3A_134 : i32
        %get3A_136 = arith.constant 1 : i32
        %get3A_137 = arith.constant 0 : i32
        %get3A_138 = arith.constant 0 : i32
        %get3A_139 = tpu.memref_slice %arg4[%rem3A_108, %get3A_137, %get3A_138] : memref<2x16x2048xf32, #tpu.memory_space<vmem>> -> memref<1x16x2048xf32, #tpu.memory_space<vmem>>
        %get3A_140 = tpu.memref_squeeze %get3A_139 : memref<1x16x2048xf32, #tpu.memory_space<vmem>> -> memref<16x2048xf32, #tpu.memory_space<vmem>>
        %get3A_141 = arith.index_cast %get3A_136 : i32 to index
        %get3A_142 = arith.index_cast %mul3A_135 : i32 to index
        %get3A_143 = tpu.vector_load %get3A_140[%get3A_141, %get3A_142] {strides = array<i32>} : memref<16x2048xf32, #tpu.memory_space<vmem>>, vector<1x16xf32>,
        %get3A_144 = vector.shape_cast %get3A_143 : vector<1x16xf32> to vector<16xf32>
        %add3A_145 = arith.addf %get3A_133, %get3A_144 : vector<16xf32>
        %mul3A_146 = arith.constant 16 : i32
        %mul3A_147 = arith.muli %scan3A_122, %mul3A_146 : i32
        %get3A_148 = arith.constant 2 : i32
        %get3A_149 = arith.constant 0 : i32
        %get3A_150 = arith.constant 0 : i32
        %get3A_151 = tpu.memref_slice %arg4[%rem3A_108, %get3A_149, %get3A_150] : memref<2x16x2048xf32, #tpu.memory_space<vmem>> -> memref<1x16x2048xf32, #tpu.memory_space<vmem>>
        %get3A_152 = tpu.memref_squeeze %get3A_151 : memref<1x16x2048xf32, #tpu.memory_space<vmem>> -> memref<16x2048xf32, #tpu.memory_space<vmem>>
        %get3A_153 = arith.index_cast %get3A_148 : i32 to index
        %get3A_154 = arith.index_cast %mul3A_147 : i32 to index
        %get3A_155 = tpu.vector_load %get3A_152[%get3A_153, %get3A_154] {strides = array<i32>} : memref<16x2048xf32, #tpu.memory_space<vmem>>, vector<1x16xf32>,
        %get3A_156 = vector.shape_cast %get3A_155 : vector<1x16xf32> to vector<16xf32>
        %add3A_157 = arith.addf %add3A_145, %get3A_156 : vector<16xf32>
        %mul3A_158 = arith.constant 16 : i32
        %mul3A_159 = arith.muli %scan3A_122, %mul3A_158 : i32
        %get3A_160 = arith.constant 3 : i32
        %get3A_161 = arith.constant 0 : i32
        %get3A_162 = arith.constant 0 : i32
        %get3A_163 = tpu.memref_slice %arg4[%rem3A_108, %get3A_161, %get3A_162] : memref<2x16x2048xf32, #tpu.memory_space<vmem>> -> memref<1x16x2048xf32, #tpu.memory_space<vmem>>
        %get3A_164 = tpu.memref_squeeze %get3A_163 : memref<1x16x2048xf32, #tpu.memory_space<vmem>> -> memref<16x2048xf32, #tpu.memory_space<vmem>>
        %get3A_165 = arith.index_cast %get3A_160 : i32 to index
        %get3A_166 = arith.index_cast %mul3A_159 : i32 to index
        %get3A_167 = tpu.vector_load %get3A_164[%get3A_165, %get3A_166] {strides = array<i32>} : memref<16x2048xf32, #tpu.memory_space<vmem>>, vector<1x16xf32>,
        %get3A_168 = vector.shape_cast %get3A_167 : vector<1x16xf32> to vector<16xf32>
        %add3A_169 = arith.addf %add3A_157, %get3A_168 : vector<16xf32>
        %mul3A_170 = arith.constant 16 : i32
        %mul3A_171 = arith.muli %scan3A_122, %mul3A_170 : i32
        %get3A_172 = arith.constant 4 : i32
        %get3A_173 = arith.constant 0 : i32
        %get3A_174 = arith.constant 0 : i32
        %get3A_175 = tpu.memref_slice %arg4[%rem3A_108, %get3A_173, %get3A_174] : memref<2x16x2048xf32, #tpu.memory_space<vmem>> -> memref<1x16x2048xf32, #tpu.memory_space<vmem>>
        %get3A_176 = tpu.memref_squeeze %get3A_175 : memref<1x16x2048xf32, #tpu.memory_space<vmem>> -> memref<16x2048xf32, #tpu.memory_space<vmem>>
        %get3A_177 = arith.index_cast %get3A_172 : i32 to index
        %get3A_178 = arith.index_cast %mul3A_171 : i32 to index
        %get3A_179 = tpu.vector_load %get3A_176[%get3A_177, %get3A_178] {strides = array<i32>} : memref<16x2048xf32, #tpu.memory_space<vmem>>, vector<1x16xf32>,
        %get3A_180 = vector.shape_cast %get3A_179 : vector<1x16xf32> to vector<16xf32>
        %add3A_181 = arith.addf %add3A_169, %get3A_180 : vector<16xf32>
        %mul3A_182 = arith.constant 16 : i32
        %mul3A_183 = arith.muli %scan3A_122, %mul3A_182 : i32
        %get3A_184 = arith.constant 5 : i32
        %get3A_185 = arith.constant 0 : i32
        %get3A_186 = arith.constant 0 : i32
        %get3A_187 = tpu.memref_slice %arg4[%rem3A_108, %get3A_185, %get3A_186] : memref<2x16x2048xf32, #tpu.memory_space<vmem>> -> memref<1x16x2048xf32, #tpu.memory_space<vmem>>
        %get3A_188 = tpu.memref_squeeze %get3A_187 : memref<1x16x2048xf32, #tpu.memory_space<vmem>> -> memref<16x2048xf32, #tpu.memory_space<vmem>>
        %get3A_189 = arith.index_cast %get3A_184 : i32 to index
        %get3A_190 = arith.index_cast %mul3A_183 : i32 to index
        %get3A_191 = tpu.vector_load %get3A_188[%get3A_189, %get3A_190] {strides = array<i32>} : memref<16x2048xf32, #tpu.memory_space<vmem>>, vector<1x16xf32>,
        %get3A_192 = vector.shape_cast %get3A_191 : vector<1x16xf32> to vector<16xf32>
        %add3A_193 = arith.addf %add3A_181, %get3A_192 : vector<16xf32>
        %mul3A_194 = arith.constant 16 : i32
        %mul3A_195 = arith.muli %scan3A_122, %mul3A_194 : i32
        %get3A_196 = arith.constant 6 : i32
        %get3A_197 = arith.constant 0 : i32
        %get3A_198 = arith.constant 0 : i32
        %get3A_199 = tpu.memref_slice %arg4[%rem3A_108, %get3A_197, %get3A_198] : memref<2x16x2048xf32, #tpu.memory_space<vmem>> -> memref<1x16x2048xf32, #tpu.memory_space<vmem>>
        %get3A_200 = tpu.memref_squeeze %get3A_199 : memref<1x16x2048xf32, #tpu.memory_space<vmem>> -> memref<16x2048xf32, #tpu.memory_space<vmem>>
        %get3A_201 = arith.index_cast %get3A_196 : i32 to index
        %get3A_202 = arith.index_cast %mul3A_195 : i32 to index
        %get3A_203 = tpu.vector_load %get3A_200[%get3A_201, %get3A_202] {strides = array<i32>} : memref<16x2048xf32, #tpu.memory_space<vmem>>, vector<1x16xf32>,
        %get3A_204 = vector.shape_cast %get3A_203 : vector<1x16xf32> to vector<16xf32>
        %add3A_205 = arith.addf %add3A_193, %get3A_204 : vector<16xf32>
        %mul3A_206 = arith.constant 16 : i32
        %mul3A_207 = arith.muli %scan3A_122, %mul3A_206 : i32
        %get3A_208 = arith.constant 7 : i32
        %get3A_209 = arith.constant 0 : i32
        %get3A_210 = arith.constant 0 : i32
        %get3A_211 = tpu.memref_slice %arg4[%rem3A_108, %get3A_209, %get3A_210] : memref<2x16x2048xf32, #tpu.memory_space<vmem>> -> memref<1x16x2048xf32, #tpu.memory_space<vmem>>
        %get3A_212 = tpu.memref_squeeze %get3A_211 : memref<1x16x2048xf32, #tpu.memory_space<vmem>> -> memref<16x2048xf32, #tpu.memory_space<vmem>>
        %get3A_213 = arith.index_cast %get3A_208 : i32 to index
        %get3A_214 = arith.index_cast %mul3A_207 : i32 to index
        %get3A_215 = tpu.vector_load %get3A_212[%get3A_213, %get3A_214] {strides = array<i32>} : memref<16x2048xf32, #tpu.memory_space<vmem>>, vector<1x16xf32>,
        %get3A_216 = vector.shape_cast %get3A_215 : vector<1x16xf32> to vector<16xf32>
        %add3A_217 = arith.addf %add3A_205, %get3A_216 : vector<16xf32>
        %mul3A_218 = arith.constant 16 : i32
        %mul3A_219 = arith.muli %scan3A_122, %mul3A_218 : i32
        %get3A_220 = arith.constant 8 : i32
        %get3A_221 = arith.constant 0 : i32
        %get3A_222 = arith.constant 0 : i32
        %get3A_223 = tpu.memref_slice %arg4[%rem3A_108, %get3A_221, %get3A_222] : memref<2x16x2048xf32, #tpu.memory_space<vmem>> -> memref<1x16x2048xf32, #tpu.memory_space<vmem>>
        %get3A_224 = tpu.memref_squeeze %get3A_223 : memref<1x16x2048xf32, #tpu.memory_space<vmem>> -> memref<16x2048xf32, #tpu.memory_space<vmem>>
        %get3A_225 = arith.index_cast %get3A_220 : i32 to index
        %get3A_226 = arith.index_cast %mul3A_219 : i32 to index
        %get3A_227 = tpu.vector_load %get3A_224[%get3A_225, %get3A_226] {strides = array<i32>} : memref<16x2048xf32, #tpu.memory_space<vmem>>, vector<1x16xf32>,
        %get3A_228 = vector.shape_cast %get3A_227 : vector<1x16xf32> to vector<16xf32>
        %add3A_229 = arith.addf %add3A_217, %get3A_228 : vector<16xf32>
        %mul3A_230 = arith.constant 16 : i32
        %mul3A_231 = arith.muli %scan3A_122, %mul3A_230 : i32
        %get3A_232 = arith.constant 9 : i32
        %get3A_233 = arith.constant 0 : i32
        %get3A_234 = arith.constant 0 : i32
        %get3A_235 = tpu.memref_slice %arg4[%rem3A_108, %get3A_233, %get3A_234] : memref<2x16x2048xf32, #tpu.memory_space<vmem>> -> memref<1x16x2048xf32, #tpu.memory_space<vmem>>
        %get3A_236 = tpu.memref_squeeze %get3A_235 : memref<1x16x2048xf32, #tpu.memory_space<vmem>> -> memref<16x2048xf32, #tpu.memory_space<vmem>>
        %get3A_237 = arith.index_cast %get3A_232 : i32 to index
        %get3A_238 = arith.index_cast %mul3A_231 : i32 to index
        %get3A_239 = tpu.vector_load %get3A_236[%get3A_237, %get3A_238] {strides = array<i32>} : memref<16x2048xf32, #tpu.memory_space<vmem>>, vector<1x16xf32>,
        %get3A_240 = vector.shape_cast %get3A_239 : vector<1x16xf32> to vector<16xf32>
        %add3A_241 = arith.addf %add3A_229, %get3A_240 : vector<16xf32>
        %mul3A_242 = arith.constant 16 : i32
        %mul3A_243 = arith.muli %scan3A_122, %mul3A_242 : i32
        %get3A_244 = arith.constant 10 : i32
        %get3A_245 = arith.constant 0 : i32
        %get3A_246 = arith.constant 0 : i32
        %get3A_247 = tpu.memref_slice %arg4[%rem3A_108, %get3A_245, %get3A_246] : memref<2x16x2048xf32, #tpu.memory_space<vmem>> -> memref<1x16x2048xf32, #tpu.memory_space<vmem>>
        %get3A_248 = tpu.memref_squeeze %get3A_247 : memref<1x16x2048xf32, #tpu.memory_space<vmem>> -> memref<16x2048xf32, #tpu.memory_space<vmem>>
        %get3A_249 = arith.index_cast %get3A_244 : i32 to index
        %get3A_250 = arith.index_cast %mul3A_243 : i32 to index
        %get3A_251 = tpu.vector_load %get3A_248[%get3A_249, %get3A_250] {strides = array<i32>} : memref<16x2048xf32, #tpu.memory_space<vmem>>, vector<1x16xf32>,
        %get3A_252 = vector.shape_cast %get3A_251 : vector<1x16xf32> to vector<16xf32>
        %add3A_253 = arith.addf %add3A_241, %get3A_252 : vector<16xf32>
        %mul3A_254 = arith.constant 16 : i32
        %mul3A_255 = arith.muli %scan3A_122, %mul3A_254 : i32
        %get3A_256 = arith.constant 11 : i32
        %get3A_257 = arith.constant 0 : i32
        %get3A_258 = arith.constant 0 : i32
        %get3A_259 = tpu.memref_slice %arg4[%rem3A_108, %get3A_257, %get3A_258] : memref<2x16x2048xf32, #tpu.memory_space<vmem>> -> memref<1x16x2048xf32, #tpu.memory_space<vmem>>
        %get3A_260 = tpu.memref_squeeze %get3A_259 : memref<1x16x2048xf32, #tpu.memory_space<vmem>> -> memref<16x2048xf32, #tpu.memory_space<vmem>>
        %get3A_261 = arith.index_cast %get3A_256 : i32 to index
        %get3A_262 = arith.index_cast %mul3A_255 : i32 to index
        %get3A_263 = tpu.vector_load %get3A_260[%get3A_261, %get3A_262] {strides = array<i32>} : memref<16x2048xf32, #tpu.memory_space<vmem>>, vector<1x16xf32>,
        %get3A_264 = vector.shape_cast %get3A_263 : vector<1x16xf32> to vector<16xf32>
        %add3A_265 = arith.addf %add3A_253, %get3A_264 : vector<16xf32>
        %mul3A_266 = arith.constant 16 : i32
        %mul3A_267 = arith.muli %scan3A_122, %mul3A_266 : i32
        %get3A_268 = arith.constant 12 : i32
        %get3A_269 = arith.constant 0 : i32
        %get3A_270 = arith.constant 0 : i32
        %get3A_271 = tpu.memref_slice %arg4[%rem3A_108, %get3A_269, %get3A_270] : memref<2x16x2048xf32, #tpu.memory_space<vmem>> -> memref<1x16x2048xf32, #tpu.memory_space<vmem>>
        %get3A_272 = tpu.memref_squeeze %get3A_271 : memref<1x16x2048xf32, #tpu.memory_space<vmem>> -> memref<16x2048xf32, #tpu.memory_space<vmem>>
        %get3A_273 = arith.index_cast %get3A_268 : i32 to index
        %get3A_274 = arith.index_cast %mul3A_267 : i32 to index
        %get3A_275 = tpu.vector_load %get3A_272[%get3A_273, %get3A_274] {strides = array<i32>} : memref<16x2048xf32, #tpu.memory_space<vmem>>, vector<1x16xf32>,
        %get3A_276 = vector.shape_cast %get3A_275 : vector<1x16xf32> to vector<16xf32>
        %add3A_277 = arith.addf %add3A_265, %get3A_276 : vector<16xf32>
        %mul3A_278 = arith.constant 16 : i32
        %mul3A_279 = arith.muli %scan3A_122, %mul3A_278 : i32
        %get3A_280 = arith.constant 13 : i32
        %get3A_281 = arith.constant 0 : i32
        %get3A_282 = arith.constant 0 : i32
        %get3A_283 = tpu.memref_slice %arg4[%rem3A_108, %get3A_281, %get3A_282] : memref<2x16x2048xf32, #tpu.memory_space<vmem>> -> memref<1x16x2048xf32, #tpu.memory_space<vmem>>
        %get3A_284 = tpu.memref_squeeze %get3A_283 : memref<1x16x2048xf32, #tpu.memory_space<vmem>> -> memref<16x2048xf32, #tpu.memory_space<vmem>>
        %get3A_285 = arith.index_cast %get3A_280 : i32 to index
        %get3A_286 = arith.index_cast %mul3A_279 : i32 to index
        %get3A_287 = tpu.vector_load %get3A_284[%get3A_285, %get3A_286] {strides = array<i32>} : memref<16x2048xf32, #tpu.memory_space<vmem>>, vector<1x16xf32>,
        %get3A_288 = vector.shape_cast %get3A_287 : vector<1x16xf32> to vector<16xf32>
        %add3A_289 = arith.addf %add3A_277, %get3A_288 : vector<16xf32>
        %mul3A_290 = arith.constant 16 : i32
        %mul3A_291 = arith.muli %scan3A_122, %mul3A_290 : i32
        %get3A_292 = arith.constant 14 : i32
        %get3A_293 = arith.constant 0 : i32
        %get3A_294 = arith.constant 0 : i32
        %get3A_295 = tpu.memref_slice %arg4[%rem3A_108, %get3A_293, %get3A_294] : memref<2x16x2048xf32, #tpu.memory_space<vmem>> -> memref<1x16x2048xf32, #tpu.memory_space<vmem>>
        %get3A_296 = tpu.memref_squeeze %get3A_295 : memref<1x16x2048xf32, #tpu.memory_space<vmem>> -> memref<16x2048xf32, #tpu.memory_space<vmem>>
        %get3A_297 = arith.index_cast %get3A_292 : i32 to index
        %get3A_298 = arith.index_cast %mul3A_291 : i32 to index
        %get3A_299 = tpu.vector_load %get3A_296[%get3A_297, %get3A_298] {strides = array<i32>} : memref<16x2048xf32, #tpu.memory_space<vmem>>, vector<1x16xf32>,
        %get3A_300 = vector.shape_cast %get3A_299 : vector<1x16xf32> to vector<16xf32>
        %add3A_301 = arith.addf %add3A_289, %get3A_300 : vector<16xf32>
        %mul3A_302 = arith.constant 16 : i32
        %mul3A_303 = arith.muli %scan3A_122, %mul3A_302 : i32
        %get3A_304 = arith.constant 15 : i32
        %get3A_305 = arith.constant 0 : i32
        %get3A_306 = arith.constant 0 : i32
        %get3A_307 = tpu.memref_slice %arg4[%rem3A_108, %get3A_305, %get3A_306] : memref<2x16x2048xf32, #tpu.memory_space<vmem>> -> memref<1x16x2048xf32, #tpu.memory_space<vmem>>
        %get3A_308 = tpu.memref_squeeze %get3A_307 : memref<1x16x2048xf32, #tpu.memory_space<vmem>> -> memref<16x2048xf32, #tpu.memory_space<vmem>>
        %get3A_309 = arith.index_cast %get3A_304 : i32 to index
        %get3A_310 = arith.index_cast %mul3A_303 : i32 to index
        %get3A_311 = tpu.vector_load %get3A_308[%get3A_309, %get3A_310] {strides = array<i32>} : memref<16x2048xf32, #tpu.memory_space<vmem>>, vector<1x16xf32>,
        %get3A_312 = vector.shape_cast %get3A_311 : vector<1x16xf32> to vector<16xf32>
        %add3A_313 = arith.addf %add3A_301, %get3A_312 : vector<16xf32>
        %mul3A_314 = arith.constant 16 : i32
        %mul3A_315 = arith.muli %scan3A_122, %mul3A_314 : i32
        %swap3A = arith.index_cast %mul3A_315 : i32 to index
        %swap3A_316 = tpu.vector_load %arg5[%swap3A] {strides = array<i32>} : memref<2048xf32, #tpu.memory_space<vmem>>, vector<16xf32>,
        %swap3A_317 = vector.shape_cast %swap3A_316 : vector<16xf32> to vector<16xf32>
        %swap3A_318 = vector.shape_cast %add3A_313 : vector<16xf32> to vector<16xf32>
        tpu.vector_store %arg5[%swap3A], %swap3A_318 {add = true, strides = array<i32>} : memref<2048xf32, #tpu.memory_space<vmem>>, vector<16xf32>,
        %scan3A_319 = arith.constant 0 : i32
        scf.yield %scan3A_319 : i32
      }
      %scan3A_115 = arith.constant 128 : i32
      %add3A_116 = arith.constant 2 : i32
      %add3A_117 = arith.addi %scan3A_89, %add3A_116 : i32
      %lt3A_118 = arith.constant 16 : i32
      %lt3A_119 = arith.cmpi slt, %add3A_117, %lt3A_118 : i32
      %convert_element_type3A = arith.extui %lt3A_119 : i1 to i32
      %cond3A = arith.constant 0 : i32
      %cond3A_120 = arith.cmpi ne, %convert_element_type3A, %cond3A : i32
      scf.if %cond3A_120 {
        %add3A_122 = arith.constant 2 : i32
        %add3A_123 = arith.addi %scan3A_89, %add3A_122 : i32
        %mul3A_124 = arith.constant 16 : i32
        %mul3A_125 = arith.muli %add3A_123, %mul3A_124 : i32
        %add3A_126 = arith.addi %add3A_35, %mul3A_125 : i32
        %rem3A_127 = arith.constant 2 : i32
        %rem3A_128 = arith.remsi %scan3A_89, %rem3A_127 : i32
        %dma_start3A_129 = arith.constant 0 : i32
        %dma_start3A_130 = arith.constant 0 : i32
        %dma_start3A_131 = tpu.memref_slice %arg4[%rem3A_128, %dma_start3A_129, %dma_start3A_130] : memref<2x16x2048xf32, #tpu.memory_space<vmem>> -> memref<1x16x2048xf32, #tpu.memory_space<vmem>>
        %dma_start3A_132 = tpu.memref_squeeze %dma_start3A_131 : memref<1x16x2048xf32, #tpu.memory_space<vmem>> -> memref<16x2048xf32, #tpu.memory_space<vmem>>
        %dma_start3A_133 = arith.constant 0 : i32
        %dma_start3A_134 = tpu.memref_slice %arg2[%add3A_126, %dma_start3A_133] : memref<32768x2048xf32, #tpu.memory_space<hbm>> -> memref<16x2048xf32, #tpu.memory_space<hbm>>
        %dma_start3A_135 = arith.constant 0 : i32
        %dma_start3A_136 = arith.constant 0 : i32
        %dma_start3A_137 = tpu.memref_slice %arg4[%rem3A_128, %dma_start3A_135, %dma_start3A_136] : memref<2x16x2048xf32, #tpu.memory_space<vmem>> -> memref<1x16x2048xf32, #tpu.memory_space<vmem>>
        %dma_start3A_138 = tpu.memref_squeeze %dma_start3A_137 : memref<1x16x2048xf32, #tpu.memory_space<vmem>> -> memref<16x2048xf32, #tpu.memory_space<vmem>>
        %dma_start3A_139 = arith.constant 0 : i32
        %dma_start3A_140 = tpu.memref_slice %arg2[%add3A_126, %dma_start3A_139] : memref<32768x2048xf32, #tpu.memory_space<hbm>> -> memref<16x2048xf32, #tpu.memory_space<hbm>>
        tpu.enqueue_dma source(%dma_start3A_140 : memref<16x2048xf32, #tpu.memory_space<hbm>>) target(%dma_start3A_138 : memref<16x2048xf32, #tpu.memory_space<vmem>>) target_semaphore(%arg6 : memref<!tpu.dma_semaphore, #tpu.memory_space<semaphore_mem>>)
      } else {
      }
      %scan3A_121 = arith.constant 0 : i32
      scf.yield %scan3A_121 : i32
    }
    %scan3A_81 = arith.constant 16 : i32
    %scan3A_82 = arith.constant 0 : i32
    %scan3A_83 = arith.constant 0 : i32
    %scan3A_84 = arith.constant 128 : i32
    %scan3A_85 = arith.addi %scan3A_83, %scan3A_84 : i32
    %scan3A_86 = arith.constant 1 : i32
    %scan3A_87 = scf.for %scan3A_89 = %scan3A_83 to %scan3A_85 step %scan3A_86 iter_args(%scan3A_90 = %scan3A_82) -> (i32)  : i32 {
      %mul3A_91 = arith.constant 16 : i32
      %mul3A_92 = arith.muli %scan3A_89, %mul3A_91 : i32
      %get3A = arith.index_cast %mul3A_92 : i32 to index
      %get3A_93 = tpu.vector_load %arg5[%get3A] {strides = array<i32>} : memref<2048xf32, #tpu.memory_space<vmem>>, vector<16xf32>,
      %get3A_94 = vector.shape_cast %get3A_93 : vector<16xf32> to vector<16xf32>
      %mul3A_95 = arith.constant 1.22070313E-4 : f32
      %mul3A_96 = vector.broadcast %mul3A_95 : f32 to vector<16xf32>
      %mul3A_97 = arith.mulf %get3A_94, %mul3A_96 : vector<16xf32>
      %mul3A_98 = arith.constant 16 : i32
      %mul3A_99 = arith.muli %scan3A_89, %mul3A_98 : i32
      %swap3A = arith.index_cast %mul3A_99 : i32 to index
      %swap3A_100 = tpu.vector_load %arg5[%swap3A] {strides = array<i32>} : memref<2048xf32, #tpu.memory_space<vmem>>, vector<16xf32>,
      %swap3A_101 = vector.shape_cast %swap3A_100 : vector<16xf32> to vector<16xf32>
      %swap3A_102 = vector.shape_cast %mul3A_97 : vector<16xf32> to vector<16xf32>
      tpu.vector_store %arg5[%swap3A], %swap3A_102 {strides = array<i32>} : memref<2048xf32, #tpu.memory_space<vmem>>, vector<16xf32>,
      %scan3A_103 = arith.constant 0 : i32
      scf.yield %scan3A_103 : i32
    }
    %scan3A_88 = arith.constant 128 : i32
    "tpu.region"() ({
      %run_scoped3A = tpu.sem_alloc : memref<!tpu.dma_semaphore, #tpu.memory_space<semaphore_mem>>
      %dma_start3A_89 = arith.constant 0 : i32
      %dma_start3A_90 = tpu.memref_slice %arg3[%select_n3A, %select_n3A_30, %dma_start3A_89] : memref<4x8x2048xf32, #tpu.memory_space<hbm>> -> memref<1x1x2048xf32, #tpu.memory_space<hbm>>
      %dma_start3A_91 = tpu.memref_squeeze %dma_start3A_90 : memref<1x1x2048xf32, #tpu.memory_space<hbm>> -> memref<2048xf32, #tpu.memory_space<hbm>>
      %dma_start3A_92 = arith.constant 0 : i32
      %dma_start3A_93 = tpu.memref_slice %arg3[%select_n3A, %select_n3A_30, %dma_start3A_92] : memref<4x8x2048xf32, #tpu.memory_space<hbm>> -> memref<1x1x2048xf32, #tpu.memory_space<hbm>>
      %dma_start3A_94 = tpu.memref_squeeze %dma_start3A_93 : memref<1x1x2048xf32, #tpu.memory_space<hbm>> -> memref<2048xf32, #tpu.memory_space<hbm>>
      tpu.enqueue_dma source(%arg5 : memref<2048xf32, #tpu.memory_space<vmem>>) target(%dma_start3A_94 : memref<2048xf32, #tpu.memory_space<hbm>>) target_semaphore(%run_scoped3A : memref<!tpu.dma_semaphore, #tpu.memory_space<semaphore_mem>>)
      %dma_wait3A = arith.constant 0 : i32
      %dma_wait3A_95 = tpu.memref_slice %arg3[%select_n3A, %select_n3A_30, %dma_wait3A] : memref<4x8x2048xf32, #tpu.memory_space<hbm>> -> memref<1x1x2048xf32, #tpu.memory_space<hbm>>
      %dma_wait3A_96 = tpu.memref_squeeze %dma_wait3A_95 : memref<1x1x2048xf32, #tpu.memory_space<hbm>> -> memref<2048xf32, #tpu.memory_space<hbm>>
      %dma_wait3A_97 = arith.constant 0 : i32
      %dma_wait3A_98 = tpu.memref_slice %arg3[%select_n3A, %select_n3A_30, %dma_wait3A_97] : memref<4x8x2048xf32, #tpu.memory_space<hbm>> -> memref<1x1x2048xf32, #tpu.memory_space<hbm>>
      %dma_wait3A_99 = tpu.memref_squeeze %dma_wait3A_98 : memref<1x1x2048xf32, #tpu.memory_space<hbm>> -> memref<2048xf32, #tpu.memory_space<hbm>>
      tpu.wait_dma2 semaphore(%run_scoped3A : memref<!tpu.dma_semaphore, #tpu.memory_space<semaphore_mem>>) src(%arg5 : memref<2048xf32, #tpu.memory_space<vmem>>) dst(%dma_wait3A_99 : memref<2048xf32, #tpu.memory_space<hbm>>)
      tpu.yield
    }) : () -> ()
    return
  }
}

module attributes {stable_mosaic.version = 14 : i64} {
  func.func @_tc_body(%arg0: i32, %arg1: i32, %arg2: memref<1x1024x2048xf32, #tpu.memory_space<vmem>>, %arg3: memref<1x1x2048xf32, #tpu.memory_space<vmem>>) attributes {dimension_semantics = [#tpu.dimension_semantics<parallel>, #tpu.dimension_semantics<arbitrary>], iteration_bounds = array<i64: 4, 6>, scalar_prefetch = 0 : i64, scratch_operands = 0 : i64, tpu.core_type = #tpu.core_type<tc>, window_params = [{transform_indices = @transform_0, window_bounds = array<i64: 1, 1024, 2048>}, {transform_indices = @transform_1, window_bounds = array<i64: 1, 1, 2048>}]} {
    %get3A = arith.constant 0 : index
    %get3A_0 = arith.constant 0 : index
    %get3A_1 = arith.constant 0 : index
    %get3A_2 = vector.load %arg2[%get3A, %get3A_0, %get3A_1] : memref<1x1024x2048xf32, #tpu.memory_space<vmem>>, vector<1x1024x2048xf32>
    %reduce_sum3A = arith.constant dense<0.000000e+00> : vector<1x2048xf32>
    %reduce_sum3A_3 = vector.multi_reduction <add>, %get3A_2, %reduce_sum3A [1] : vector<1x1024x2048xf32> to vector<1x2048xf32>
    %broadcast_in_dim3A = vector.shape_cast %reduce_sum3A_3 : vector<1x2048xf32> to vector<1x1x2048xf32>
    %mul3A = arith.constant 1.22070313E-4 : f32
    %mul3A_4 = vector.broadcast %mul3A : f32 to vector<1x1x2048xf32>
    %mul3A_5 = arith.mulf %broadcast_in_dim3A, %mul3A_4 : vector<1x1x2048xf32>
    %eq3A = arith.constant 0 : i32
    %eq3A_6 = arith.cmpi eq, %arg1, %eq3A : i32
    %convert_element_type3A = arith.extui %eq3A_6 : i1 to i32
    %cond3A = arith.constant 0 : i32
    %cond3A_7 = arith.cmpi ne, %convert_element_type3A, %cond3A : i32
    scf.if %cond3A_7 {
      %swap3A = arith.constant 0 : index
      %swap3A_12 = arith.constant 0 : index
      %swap3A_13 = arith.constant 0 : index
      %swap3A_14 = vector.load %arg3[%swap3A, %swap3A_12, %swap3A_13] : memref<1x1x2048xf32, #tpu.memory_space<vmem>>, vector<1x1x2048xf32>
      tpu.vector_store %arg3[%swap3A, %swap3A_12, %swap3A_13], %mul3A_5 {strides = array<i32>} : memref<1x1x2048xf32, #tpu.memory_space<vmem>>, vector<1x1x2048xf32>,
    } else {
    }
    %gt3A = arith.constant 0 : i32
    %gt3A_8 = arith.cmpi sgt, %arg1, %gt3A : i32
    %convert_element_type3A_9 = arith.extui %gt3A_8 : i1 to i32
    %cond3A_10 = arith.constant 0 : i32
    %cond3A_11 = arith.cmpi ne, %convert_element_type3A_9, %cond3A_10 : i32
    scf.if %cond3A_11 {
      %get3A_12 = arith.constant 0 : index
      %get3A_13 = arith.constant 0 : index
      %get3A_14 = arith.constant 0 : index
      %get3A_15 = vector.load %arg3[%get3A_12, %get3A_13, %get3A_14] : memref<1x1x2048xf32, #tpu.memory_space<vmem>>, vector<1x1x2048xf32>
      %add3A = arith.addf %get3A_15, %mul3A_5 : vector<1x1x2048xf32>
      %swap3A = arith.constant 0 : index
      %swap3A_16 = arith.constant 0 : index
      %swap3A_17 = arith.constant 0 : index
      %swap3A_18 = vector.load %arg3[%swap3A, %swap3A_16, %swap3A_17] : memref<1x1x2048xf32, #tpu.memory_space<vmem>>, vector<1x1x2048xf32>
      tpu.vector_store %arg3[%swap3A, %swap3A_16, %swap3A_17], %add3A {strides = array<i32>} : memref<1x1x2048xf32, #tpu.memory_space<vmem>>, vector<1x1x2048xf32>,
    } else {
    }
    return
  }
  func.func @transform_0(%arg0: i32, %arg1: i32) -> (i32, i32, i32) {
    %add3A = arith.constant 2 : i32
    %add3A_0 = arith.addi %arg1, %add3A : i32
    %c0_i32 = arith.constant 0 : i32
    %c0_i32_1 = arith.constant 0 : i32
    return %arg0, %add3A_0, %c0_i32 : i32, i32, i32
  }
  func.func @transform_1(%arg0: i32, %arg1: i32) -> (i32, i32, i32) {
    %c0_i32 = arith.constant 0 : i32
    %c0_i32_0 = arith.constant 0 : i32
    %c0_i32_1 = arith.constant 0 : i32
    return %arg0, %c0_i32, %c0_i32_0 : i32, i32, i32
  }
}

</mosaic_0001>

<sc_bundles>
// kernel: kernel.4.cloned.1.call-start
scs
__scs_entry_jumppad:
0x0: {  	(pc) =	sbr.rel $0x88, $3  }
0x1: {  	(tag) =	ssettag $0x0;
	lr =	simm.s32 $0x1  }
0x2: {  	[smem:$0x3FA0] =	sst lr;
	_ =	strace $0xD0000000  }
0x3: {  	_ = 	snop  }
0x4: {  	_ = 	snop  }
0x5: {  	_ = 	snop  }
0x6: {  	_ = 	snop  }
0x7: {  	_ = 	snop  }
__scs_overlays_trampoline_lowered:
0x8: {  	[smem:$0x3FAF] =	sst s0  }
0x9: {  	[smem:$0x3FB0] =	sst s1  }
0xa: {  	[smem:$0x3FB1] =	sst s2  }
0xb: {  	[smem:$0x3FB2] =	sst s3  }
0xc: {  	[smem:$0x3FB3] =	sst s4  }
0xd: {  	[smem:$0x3FB4] =	sst s5  }
0xe: {  	[smem:$0x3FB5] =	sst s6  }
0xf: {  	[smem:$0x3FB6] =	sst s7  }
0x10: {  	[smem:$0x3FB7] =	sst s8  }
0x11: {  	[smem:$0x3FB8] =	sst s9;
	s0 =	simm.s32 @!p0 $0x0  }
0x12: {  	s1 =	sld [smem:$0x3F9E];
	s0 =	simm.s32 @p0 $0x1  }
0x13: {  	[smem:$0x3FB9] =	sst s0;
	s0 =	simm.s32 @!p1 $0x0  }
0x14: {  	s2 =	sld [smem:$0x3F9D];
	s0 =	simm.s32 @p1 $0x1  }
0x15: {  	[smem:$0x3FBA] =	sst s0;
	s0 =	simm.s32 @!p2 $0x0  }
0x16: {  	s3 =	sld [smem:$0x3FDB];
	s0 =	simm.s32 @p2 $0x1  }
0x17: {  	s4 =	simm.s32 $0x1BF5;
	[smem:$0x3FBC] =	sst s0  }
0x18: {  	s0 =	sld [smem:$0x3F9F];
	_ =	swait.ge [sflag:s4], $0x0  }
0x19: {  	s7 =	sld [smem:$0x3FA0]  }
0x1a: {  	s8 =	sadd.s32 $0xFFFFE003, lr  }
0x1b: {  	s9 =	sadd.s32 $0xFFFFFEF7, lr;
	s5 =	simm.s32 $0xFFFFFFFF;
	p2 =	slt.u32 s8, $0xFFFFF086  }
0x1c: {  	p1 =	slt.u32 s9, $0xF7A;
	s5 =	simm.s32 @!p2 $0x0  }
0x1d: {  	s5 =	simm.s32 @p1 $0x1;
	p0 =	seq.s32 s7, s2  }
0x1e: {  	s7 =	smul.u32 @!p0 $0xF7A, s2;
	p2 =	seq.s32 @!p0 s5, $0x0  }
0x1f: {  	s9 =	smul.u32 $0xF7A, s1;
	s8 =	simm.s32 @!p0 $0x1BF5;
	p2 =	por !p2, p0  }
0x20: {  	[sflag:s8] =	ssyncset.s32 @!p0 $0xFFFFF086;
	s6 =	sadd.s32 @!p0 s3, s7;
	s7 =	simm.s32 @!p0 $0x108  }
0x21: {  	s3 =	sadd.s32 s3, s9;
	s6 =	sadd.s32 @!p0 $0x88, s6;
	s7 =	simm.s32 @p2 $0x1082  }
0x22: {  	[simem:s7], [sflag:s8] =	dma.local @!p0 [hbm:s6], $0xF7A  }
0x23: {  	s9 =	sor.u32 $0xD0000000, s2;
	s6 =	simm.s32 $0x108;
	_ =	swait.ge @!p0 [sflag:s8], $0x0  }
0x24: {  	s3 =	sadd.s32 $0x88, s3;
	s6 =	simm.s32 @!p1 $0x1082;
	[sflag:s4] =	ssyncset.s32 $0xFFFFF086  }
0x25: {  	[simem:s6], [sflag:s4] =	dma.local [hbm:s3], $0xF7A  }
0x26: {  	[smem:$0x3FA0] =	sst s1;
	(tag) =	ssettag s2;
	_ =	strace s9  }
0x27: {  	s1 =	sld [smem:$0x3FB0]  }
0x28: {  	s2 =	sld [smem:$0x3FB1]  }
0x29: {  	s4 =	sld [smem:$0x3FB3]  }
0x2a: {  	p0 =	seq.s32 s5, $0x0;
	s5 =	sld [smem:$0x3FB4]  }
0x2b: {  	s6 =	sld [smem:$0x3FB5]  }
0x2c: {  	s7 =	sld [smem:$0x3FB6]  }
0x2d: {  	s3 =	simm.s32 $0x108;
	s8 =	sld [smem:$0x3FB7]  }
0x2e: {  	s3 =	simm.s32 @!p0 $0x1082;
	s9 =	sld [smem:$0x3FB8]  }
0x2f: {  	lr =	sadd.s32 s0, s3;
	s0 =	sld [smem:$0x3FAF]  }
0x30: {  	s3 =	sld [smem:$0x3FB2]  }
0x31: {  	[smem:$0x3FBB] =	sst s10  }
0x32: {  	s10 =	sld [smem:$0x3FB9];
	_ =	sdelay $0x3  }
0x33: {  	p0 =	seq.s32 s10, $0x1;
	s10 =	sld [smem:$0x3FBB];
	_ =	sdelay $0x3  }
0x34: {  	[smem:$0x3FBB] =	sst s10  }
0x35: {  	s10 =	sld [smem:$0x3FBA];
	_ =	sdelay $0x3  }
0x36: {  	p1 =	seq.s32 s10, $0x1;
	s10 =	sld [smem:$0x3FBB];
	_ =	sdelay $0x3  }
0x37: {  	[smem:$0x3FBB] =	sst s10  }
0x38: {  	s10 =	sld [smem:$0x3FBC]  }
0x39: {  	_ = 	snop;
	(pc) =	sbr.ind lr, $3  }
0x3a: {  	_ = 	snop  }
0x3b: {  	_ = 	snop  }
0x3c: {  	p2 =	seq.s32 s10, $0x1;
	s10 =	sld [smem:$0x3FBB]  }
0x3d: {  	_ =	shalt  }
0x3e: {  	_ =	shalt  }
0x3f: {  	_ =	shalt  }
0x40: {  	_ =	shalt  }
0x41: {  	_ =	shalt  }
0x42: {  	_ =	shalt  }
0x43: {  	_ =	shalt  }
0x44: {  	_ =	shalt  }
0x45: {  	_ =	shalt  }
0x46: {  	_ =	shalt  }
0x47: {  	_ =	shalt  }
0x48: {  	_ =	shalt  }
0x49: {  	_ =	shalt  }
0x4a: {  	_ =	shalt  }
0x4b: {  	_ =	shalt  }
0x4c: {  	_ =	shalt  }
0x4d: {  	_ =	shalt  }
0x4e: {  	_ =	shalt  }
0x4f: {  	_ =	shalt  }
0x50: {  	_ =	shalt  }
0x51: {  	_ =	shalt  }
0x52: {  	_ =	shalt  }
0x53: {  	_ =	shalt  }
0x54: {  	_ =	shalt  }
0x55: {  	_ =	shalt  }
0x56: {  	_ =	shalt  }
0x57: {  	_ =	shalt  }
0x58: {  	_ =	shalt  }
0x59: {  	_ =	shalt  }
0x5a: {  	_ =	shalt  }
0x5b: {  	_ =	shalt  }
0x5c: {  	_ =	shalt  }
0x5d: {  	_ =	shalt  }
0x5e: {  	_ =	shalt  }
0x5f: {  	_ =	shalt  }
0x60: {  	_ =	shalt  }
0x61: {  	_ =	shalt  }
0x62: {  	_ =	shalt  }
0x63: {  	_ =	shalt  }
0x64: {  	_ =	shalt  }
0x65: {  	_ =	shalt  }
0x66: {  	_ =	shalt  }
0x67: {  	_ =	shalt  }
0x68: {  	_ =	shalt  }
0x69: {  	_ =	shalt  }
0x6a: {  	_ =	shalt  }
0x6b: {  	_ =	shalt  }
0x6c: {  	_ =	shalt  }
0x6d: {  	_ =	shalt  }
0x6e: {  	_ =	shalt  }
0x6f: {  	_ =	shalt  }
0x70: {  	_ =	shalt  }
0x71: {  	_ =	shalt  }
0x72: {  	_ =	shalt  }
0x73: {  	_ =	shalt  }
0x74: {  	_ =	shalt  }
0x75: {  	_ =	shalt  }
0x76: {  	_ =	shalt  }
0x77: {  	_ =	shalt  }
0x78: {  	_ =	shalt  }
0x79: {  	_ =	shalt  }
0x7a: {  	_ =	shalt  }
0x7b: {  	_ =	shalt  }
0x7c: {  	_ =	shalt  }
0x7d: {  	_ =	shalt  }
0x7e: {  	_ =	shalt  }
0x7f: {  	_ =	shalt  }
0x80: {  	_ =	shalt  }
0x81: {  	_ =	shalt  }
0x82: {  	_ =	shalt  }
0x83: {  	_ =	shalt  }
0x84: {  	_ =	shalt  }
0x85: {  	_ =	shalt  }
0x86: {  	_ =	shalt  }
0x87: {  	_ =	shalt  }
.Lfunc_end0:
.L_simem_size_0:
called_computation_lowered:
.L_overlay_start_0:
0x88: {  	s2 =	sld [smem:$0x3FD9]  }
0x89: {  	s3 =	sld [smem:$0x3FFE];
	_ =	sdelay $0x1  }
0x8a: {  	s1 =	srdreg.scid  }
0x8b: {  	s0 =	sand.u32 $0x1, s1  }
0x8c: {  	s17 =	sshll.u32 s0, $0xA;
	s2 =	sadd.s32 s3, s2  }
0x8d: {  	s2 =	sadd.s32 s2, s17  }
0x8e: {  	[smem:$0x3FC7] =	sst s2  }
0x8f: {  	_ = 	snop  }
0x90: {  	s2 =	sld [smem:$0x3FC9];
	(tm) =	ssettm $0x1  }
0x91: {  	s18 =	sld [smem:$0x3FFB];
	_ =	sdelay $0x3  }
0x92: {  	_ =	strace s18  }
0x93: {  	s3 =	sld [smem:$0x3FFC];
	_ =	sdelay $0x3  }
0x94: {  	_ =	strace s3  }
0x95: {  	s3 =	sld [smem:$0x3FFD];
	_ =	sdelay $0x3  }
0x96: {  	_ =	strace s3  }
0x97: {  	_ =	strace $0x8FFFFFFF  }
0x98: {  	s19 =	sld [smem:$0x3FDB];
	_ =	sdelay $0x1  }
0x99: {  	s4 =	simm.s32 $_scs_section_size  }
0x9a: {  	s5 =	simm.s32 $_size__tile_overlayer_lowered;
	s6 =	simm.s32 $_tile_overlayer_lowered  }
0x9b: {  	s22 =	simm.s32 $0x1BFF;
	s21 =	sshll.u32 s6, $0x1;
	s3 =	sadd.s32 s4, s19  }
0x9c: {  	s7 =	simm.s32 $0x0;
	s20 =	sshll.u32 s5, $0x1;
	s5 =	sadd.s32 s21, s3  }
0x9d: {  	[timem:s7], [sflag:s22] =	dma.local [hbm:s5], s20  }
0x9e: {  	_ =	swait.ge [sflag:s22], s20  }
0x9f: {  	s4 =	ssub.s32 $0x0, s20;
	[sflag:s22] =	ssyncset.done $0x0  }
0xa0: {  	[sflag:s22] =	ssyncadd.s32 s4;
	_ =	sdelay $0x1  }
0xa1: {  	s23 =	simm.s32 $0x1B8B  }
0xa2: {  	_ =	swait.ge [sflag:s23], $0x1  }
0xa3: {  	[sflag:s23] =	ssyncset.done $0x0  }
0xa4: {  	s25 =	simm.s32 $0x1B8E;
	s24 =	sld [smem:$0x3FFE];
	[sflag:s23] =	ssyncadd.s32 $0xFFFFFFFF  }
0xa5: {  	s26 =	simm.s32 $execute0_lowered;
	[smem:$0x3FD2] =	sst s25  }
0xa6: {  	s5 =	sshll.u32 s26, $0x1;
	_ =	strace $0x80000046;
	[dreg:$0x1] =	wrdreg $0xFFFFFFFF  }
0xa7: {  	s28 =	simm.s32 $_size_execute0_lowered;
	s3 =	sadd.s32 s3, s5;
	[dreg:$0x0] =	wrdreg $0x0  }
0xa8: {  	s5 =	sshll.u32 s28, $0x1;
	[dreg:$0x2] =	wrdreg s3  }
0xa9: {  	[dreg:$0x3] =	wrdreg s5  }
0xaa: {  	[dreg:$0x4] =	wrdreg $0xC0  }
0xab: {  	_ =	task [dreg:s7], $0x5FFFF  }
0xac: {  	[dreg:$0x1] =	wrdreg $0xFFFFFFFF  }
0xad: {  	[dreg:$0x0] =	wrdreg $0x60  }
0xae: {  	[dreg:$0x2] =	wrdreg s2  }
0xaf: {  	[dreg:$0x3] =	wrdreg s24  }
0xb0: {  	[dreg:$0x4] =	wrdreg $0x9  }
0xb1: {  	_ =	task.clear_ibuf [dreg:s7], $0x5FFFF;
	_ =	strace $0x90000046  }
0xb2: {  	s29 =	simm.s32 $0x9;
	_ =	strace $0x80000048  }
0xb3: {  	_ =	swait.ge [sflag:s29], $0x1  }
0xb4: {  	[sflag:s29] =	ssyncadd.s32 $0xFFFFFFFF  }
0xb5: {  	_ =	strace $0x90000048  }
0xb6: {  	_ =	sfence  }
0xb7: {  	s30 =	sld [smem:$0x0];
	_ =	sdelay $0x2  }
0xb8: {  	s31 =	sshll.u32 s1, $0xD;
	s1 =	sshrl.u32 s1, $0x2  }
0xb9: {  	s3 =	sand.u32 $0x4000, s31;
	s1 =	sadd.s32 s1, s30  }
0xba: {  	s0 =	sor.u32 s3, s0;
	s1 =	sshll.u32 s1, $0x11  }
0xbb: {  	s0 =	sor.u32 s1, s0  }
0xbc: {  	s0 =	sadd.s32 $0x8F2B, s0  }
0xbd: {  	[sflag:s0] =	ssyncadd.remote.s32 $0x1  }
0xbe: {  	_ =	sfence.sel $0xFFFF  }
0xbf: {  	[dreg:$0x0] =	wrdreg $0xFFFFFFFF;
	(pc) =	sbr.abs _section_cstart, $3  }
0xc0: {  	[dreg:$0x1] =	wrdreg $0xFFFFFFFF  }
0xc1: {  	_ =	task.clear_ibuf [dreg:s7], $0x2FFFF;
	_ =	strace $0x9FFFFFFF  }
0xc2: {  	(tm) =	ssettm $0x7FFFFFFF  }
0xc3: {  	_ =	shalt  }
tec
execute0_lowered:
.L_overlay_start_1:
0x0: {  	(tag) =	ssettag $0x1  }
0x1: {  	s3 =	rddreg [dreg:$0x0]  }
0x2: {  	s5 =	rddreg [dreg:$0x1];
	s1 =	stileid.u32  }
0x3: {  	s0 =	rddreg [dreg:$0x2];
	s4 =	srdreg.scid;
	s2 =	simm.s32 $0x0  }
0x4: {  	s11 =	simm.s32 $0x400;
	s12 =	simm.s32 $0x10000;
	s13 =	simm.s32 $0x2  }
0x5: {  	s6 =	sshll.u32 s1, $0x1;
	s4 =	sand.u32 $0x1, s4;
	s7 =	sshrl.u32 s1, $0x2  }
0x6: {  	[smem:$0x7FF] =	sst s2;
	s6 =	sand.u32 $0x6, s6;
	s8 =	sshll.u32 s7, $0x15  }
0x7: {  	_ =	strace $0x80000047;
	s7 =	sshll.u32 s7, $0xB;
	s6 =	sor.u32 s4, s6  }
0x8: {  	s4 =	ssub.s32 $0x2, s4;
	s7 =	sadd.s32 s5, s7;
	s9 =	sshll.u32 s6, $0x10  }
0x9: {  	s10 =	sshrl.u32 s4, $0x1;
	s6 =	sshll.u32 s6, $0x4;
	s8 =	sor.u32 s8, s9  }
0xa: {  	s31 =	ssub.s32 s4, s10;
	s6 =	sadd.s32 s6, s7;
	s9 =	simm.s32 $0x1  }
0xb: {  	s10 =	simm.s32 $0x80;
	s3 =	sadd.s32 s3, s8;
	s7 =	smax.u32 s31, $0x1  }
0xc: {  	v0 =	vimm.f32 $0.0e+00;
	s8 =	simm.s32 $0x8000;
	s4 =	sadd.s32 $0x1000, s3;
	s5 =	sadd.s32 $0x2000, s3  }
.LBB2_1:
0xd: {  	s14 =	simm.s32 $0x40;
	s15 =	simm.s32 $0x0  }
.LBB2_2:
0xe: {  	p0 =	sne.s32 s14, $0x1FC0;
	[tilespmem:s15+$0x10000] =	vst v0;
	s15 =	smov.u32 s14;
	s14 =	sadd.s32 $0x40, s14  }
.Ltmp0:
0xf: {  	(pc) =	sbr.rel @p0 .LBB2_2-.Ltmp0, $2  }
0x10: {  	_ =	sdelay $0x2  }
0x11: {  	s15 =	sshra.s32 s15, $0x2  }
0x12: {  	[tilespmem:s15+$0x10000] =	vst v0;
	s14 =	simm.s32 $0x0  }
0x13: {  	[tilespmem:s14], [sflag:$0x1] =	stream.linear.gather [hbm4b:s3+s14], $0x8000, $0x38;
	[tilespmem:$0x10800] =	vst v63  }
0x14: {  	s15 =	simm.s32 $0x0  }
0x15: {  	[tilespmem:s8], [sflag:$0x1] =	stream.linear.gather [hbm4b:s4+s14], $0x8000, $0x38;
	[tilespmem:$0x10800] =	vst v63  }
.LBB2_4:
0x16: {  	s16 =	sshll.u32 s15, $0xF  }
0x17: {  	_ =	swait.ge [sflag:s9], $0x8000;
	s17 =	sand.u32 $0x3C00, s14;
	s16 =	sand.u32 $0x8000, s16  }
0x18: {  	s18 =	sand.u32 $0x70, s14;
	[sflag:s9] =	ssyncset.done $0x0;
	s17 =	sadd.s32 s17, s16  }
0x19: {  	[sflag:s9] =	ssyncadd.s32 $0xFFFF8000;
	s17 =	sadd.s32 s18, s17  }
0x1a: {  	v1 =	vld [tilespmem:s17+$0x80]  }
0x1b: {  	v2 =	vld [tilespmem:s17+$0x0];
	_ =	sdelay $0x1  }
0x1c: {  	v3 =	vld [tilespmem:s17+$0x100];
	_ =	sdelay $0x1  }
0x1d: {  	v4 =	vld [tilespmem:s17+$0x180]  }
0x1e: {  	v1 =	vadd.f32 v1, v2  }
0x1f: {  	v2 =	vld [tilespmem:s17+$0x200]  }
0x20: {  	v1 =	vadd.f32 v3, v1  }
0x21: {  	v3 =	vld [tilespmem:s17+$0x280]  }
0x22: {  	v1 =	vadd.f32 v4, v1  }
0x23: {  	v60 =	vld [tilespmem:s17+$0x300]  }
0x24: {  	v1 =	vadd.f32 v2, v1  }
0x25: {  	v2 =	vld [tilespmem:s17+$0x380]  }
0x26: {  	v1 =	vadd.f32 v3, v1  }
0x27: {  	v3 =	vld [tilespmem:s17+$0x4000]  }
0x28: {  	v1 =	vadd.f32 v60, v1  }
0x29: {  	v61 =	vld [tilespmem:s17+$0x4080]  }
0x2a: {  	v1 =	vadd.f32 v2, v1  }
0x2b: {  	v2 =	vld [tilespmem:s17+$0x4100]  }
0x2c: {  	v1 =	vadd.f32 v3, v1  }
0x2d: {  	v3 =	vld [tilespmem:s17+$0x4180]  }
0x2e: {  	v1 =	vadd.f32 v61, v1  }
0x2f: {  	v62 =	vld [tilespmem:s17+$0x4200]  }
0x30: {  	v1 =	vadd.f32 v2, v1  }
0x31: {  	v2 =	vld [tilespmem:s17+$0x4280]  }
0x32: {  	v1 =	vadd.f32 v3, v1  }
0x33: {  	v3 =	vld [tilespmem:s17+$0x4300]  }
0x34: {  	v1 =	vadd.f32 v62, v1  }
0x35: {  	v63 =	vld [tilespmem:s17+$0x4380]  }
0x36: {  	v1 =	vadd.f32 v2, v1;
	_ =	sdelay $0x1  }
0x37: {  	v1 =	vadd.f32 v3, v1  }
0x38: {  	s19 =	simm.s32 $0x10;
	s18 =	simm.s32 $0x80  }
0x39: {  	s20 =	sand.u32 $0x70, s19;
	s21 =	sand.u32 $0x3C00, s18;
	v1 =	vadd.f32 v63, v1  }
0x3a: {  	s19 =	simm.s32 $0x20;
	s21 =	sadd.s32 s21, s16;
	s17 =	simm.s32 $0x10000  }
.LBB2_5:
0x3b: {  	p0 =	sne.s32 s19, $0x7F0;
	s20 =	sadd.s32 s20, s21;
	[tilespmem:s17+$0x0] =	vst.add.f32.msk $0xffff, v1  }
0x3c: {  	v1 =	vld [tilespmem:s20+$0x80]  }
0x3d: {  	v2 =	vld [tilespmem:s20+$0x0];
	_ =	sdelay $0x1  }
0x3e: {  	v3 =	vld [tilespmem:s20+$0x100];
	_ =	sdelay $0x1  }
0x3f: {  	v4 =	vld [tilespmem:s20+$0x180]  }
0x40: {  	v1 =	vadd.f32 v1, v2  }
0x41: {  	v2 =	vld [tilespmem:s20+$0x200]  }
0x42: {  	v1 =	vadd.f32 v3, v1  }
0x43: {  	v3 =	vld [tilespmem:s20+$0x280]  }
0x44: {  	v1 =	vadd.f32 v4, v1  }
0x45: {  	v4 =	vld [tilespmem:s20+$0x300]  }
0x46: {  	v1 =	vadd.f32 v2, v1  }
0x47: {  	v2 =	vld [tilespmem:s20+$0x380]  }
0x48: {  	v1 =	vadd.f32 v3, v1  }
0x49: {  	v3 =	vld [tilespmem:s20+$0x4000]  }
0x4a: {  	v1 =	vadd.f32 v4, v1  }
0x4b: {  	v4 =	vld [tilespmem:s20+$0x4080]  }
0x4c: {  	v1 =	vadd.f32 v2, v1  }
0x4d: {  	v2 =	vld [tilespmem:s20+$0x4100]  }
0x4e: {  	v1 =	vadd.f32 v3, v1  }
0x4f: {  	v3 =	vld [tilespmem:s20+$0x4180]  }
0x50: {  	v1 =	vadd.f32 v4, v1  }
0x51: {  	v4 =	vld [tilespmem:s20+$0x4200]  }
0x52: {  	v1 =	vadd.f32 v2, v1  }
0x53: {  	v2 =	vld [tilespmem:s20+$0x4280]  }
0x54: {  	v1 =	vadd.f32 v3, v1  }
0x55: {  	v3 =	vld [tilespmem:s20+$0x4300]  }
0x56: {  	v1 =	vadd.f32 v4, v1  }
0x57: {  	v4 =	vld [tilespmem:s20+$0x4380]  }
0x58: {  	v1 =	vadd.f32 v2, v1  }
.Ltmp1:
0x59: {  	(pc) =	sbr.rel @p0 .LBB2_5-.Ltmp1, $4  }
0x5a: {  	v1 =	vadd.f32 v3, v1  }
0x5b: {  	s18 =	sadd.s32 $0x80, s18  }
0x5c: {  	s17 =	sadd.s32 $0x10, s17;
	s21 =	sand.u32 $0x3C00, s18;
	v1 =	vadd.f32 v4, v1  }
0x5d: {  	s21 =	sadd.s32 s21, s16;
	s20 =	sand.u32 $0x70, s19;
	s19 =	sadd.s32 $0x10, s19  }
0x5e: {  	s18 =	sadd.s32 s20, s21;
	[tilespmem:s17+$0x0] =	vst.add.f32.msk $0xffff, v1  }
0x5f: {  	v1 =	vld [tilespmem:s18+$0x80]  }
0x60: {  	v2 =	vld [tilespmem:s18+$0x0];
	_ =	sdelay $0x1  }
0x61: {  	v3 =	vld [tilespmem:s18+$0x100];
	_ =	sdelay $0x1  }
0x62: {  	v4 =	vld [tilespmem:s18+$0x180]  }
0x63: {  	v1 =	vadd.f32 v1, v2  }
0x64: {  	v2 =	vld [tilespmem:s18+$0x200]  }
0x65: {  	v1 =	vadd.f32 v3, v1  }
0x66: {  	v3 =	vld [tilespmem:s18+$0x280]  }
0x67: {  	v1 =	vadd.f32 v4, v1  }
0x68: {  	v60 =	vld [tilespmem:s18+$0x300]  }
0x69: {  	v1 =	vadd.f32 v2, v1  }
0x6a: {  	v2 =	vld [tilespmem:s18+$0x380]  }
0x6b: {  	v1 =	vadd.f32 v3, v1  }
0x6c: {  	v3 =	vld [tilespmem:s18+$0x4000]  }
0x6d: {  	v1 =	vadd.f32 v60, v1  }
0x6e: {  	v61 =	vld [tilespmem:s18+$0x4080]  }
0x6f: {  	v1 =	vadd.f32 v2, v1  }
0x70: {  	v2 =	vld [tilespmem:s18+$0x4100]  }
0x71: {  	v1 =	vadd.f32 v3, v1  }
0x72: {  	v3 =	vld [tilespmem:s18+$0x4180]  }
0x73: {  	v1 =	vadd.f32 v61, v1  }
0x74: {  	v62 =	vld [tilespmem:s18+$0x4200]  }
0x75: {  	v1 =	vadd.f32 v2, v1  }
0x76: {  	v2 =	vld [tilespmem:s18+$0x4280]  }
0x77: {  	v1 =	vadd.f32 v3, v1  }
0x78: {  	v3 =	vld [tilespmem:s18+$0x4300]  }
0x79: {  	v1 =	vadd.f32 v62, v1  }
0x7a: {  	v63 =	vld [tilespmem:s18+$0x4380]  }
0x7b: {  	v1 =	vadd.f32 v2, v1;
	_ =	sdelay $0x1  }
0x7c: {  	v1 =	vadd.f32 v3, v1;
	_ =	sdelay $0x1  }
0x7d: {  	p0 =	sgt.u32 s15, $0xD;
	v1 =	vadd.f32 v63, v1  }
0x7e: {  	s31 =	sadd.s32 $0x10, s17;
	s18 =	sshll.u32 @!p0 s15, $0xC  }
0x7f: {  	s15 =	sadd.s32 $0x1, s15;
	s17 =	sadd.s32 @!p0 s18, s5;
	s18 =	simm.s32 @!p0 $0x0;
	[tilespmem:s31+$0x0] =	vst.add.f32.msk $0xffff, v1  }
0x80: {  	[tilespmem:s16], [sflag:$0x1] =	stream.linear.gather @!p0 [hbm4b:s17+s18], $0x8000, $0x38;
	[tilespmem:$0x10800] =	vst v63  }
0x81: {  	p0 =	sne.s32 s15, $0x10  }
.Ltmp2:
0x82: {  	_ = 	snop;
	(pc) =	sbr.rel @p0 .LBB2_4-.Ltmp2, $1  }
0x83: {  	_ =	sdelay $0x3  }
0x84: {  	s14 =	simm.s32 $0x0;
	s15 =	simm.s32 $0x40  }
.LBB2_8:
0x85: {  	p0 =	sne.s32 s15, $0x1FC0;
	v1 =	vld [tilespmem:s14+$0x10000];
	_ =	sdelay $0x2  }
.Ltmp3:
0x86: {  	(pc) =	sbr.rel @p0 .LBB2_8-.Ltmp3, $3  }
0x87: {  	_ = 	snop  }
0x88: {  	v1 =	vmul.f32 $1.220703130e-04, v1;
	_ =	sdelay $0x1  }
0x89: {  	[tilespmem:s14+$0x10000] =	vst v1;
	s14 =	sshra.s32 s15, $0x2;
	s15 =	sadd.s32 $0x40, s15  }
0x8a: {  	v1 =	vld [tilespmem:s14+$0x10000];
	_ =	sdelay $0x4  }
0x8b: {  	s2 =	sadd.s32 $0x1, s2;
	v1 =	vmul.f32 $1.220703130e-04, v1  }
0x8c: {  	p0 =	sne.s32 s2, s7  }
.Ltmp4:
0x8d: {  	[tilespmem:s14+$0x10000] =	vst v1;
	(pc) =	sbr.rel @p0 .LBB2_1-.Ltmp4, $4  }
0x8e: {  	[hbm4b:s6+s10] =	stream.strided.scatter [tilespmem:s12], [sflag:$0x2], $0x800, s11, s10, $0x38;
	[tilespmem:$0x10800] =	vst v63  }
0x8f: {  	_ =	swait.ge [sflag:s13], $0x800  }
0x90: {  	[sflag:s13] =	ssyncset.done $0x0  }
0x91: {  	[sflag:s13] =	ssyncadd.s32 $0xFFFFF800  }
0x92: {  	_ =	sfence.sel $0x180000  }
0x93: {  	[bflag:$0x0] =	sbarrier.arrive $0xFFFF  }
0x94: {  	p0 =	sne.s32 s1, $0x0;
	_ =	strace $0x90000047  }
0x95: {  	s0 =	sadd.s32 @!p0 $0x100000, s0;
	[bflag:$0x2] =	sbarrier.arrive $0xFFFF  }
0x96: {  	[sflag:s0] =	ssyncadd.tile.s32 @!p0 $0x1;
	_ =	shalt  }
.Lfunc_end2:
_tile_overlayer_lowered:
.L_overlay_start_2:
0x97: {  	(tag) =	ssettag $0x2  }
0x98: {  	s0 =	rddreg [dreg:$0x0];
	s2 =	stileid.u32  }
0x99: {  	s1 =	rddreg [dreg:$0x1];
	p0 =	sne.s32 s2, $0x0  }
0x9a: {  	s3 =	rddreg [dreg:$0x2];
	[bflag:$0x3] =	sbarrier.arrive $0xFFFF;
	s2 =	simm.s32 @!p0 $0x1C02  }
0x9b: {  	[timem:s3], [sflag:s2] =	dma.local @!p0 [hbm:s0], s1  }
0x9c: {  	s0 =	simm.s32 @!p0 $0x2  }
0x9d: {  	_ =	swait.ge @!p0 [sflag:s0], s1  }
0x9e: {  	s1 =	ssub.s32 @!p0 $0x0, s1;
	[sflag:s0] =	ssyncset.done @!p0 $0x0  }
0x9f: {  	[sflag:s0] =	ssyncadd.s32 @!p0 s1  }
0xa0: {  	[bflag:$0x3] =	sbarrier.arrive $0xFFFF  }
0xa1: {  	_ =	shalt  }

</sc_bundles>
